<compile_context>
chip_gen: v7x
topology: tpu7x:2x2x1
jax: 0.10.2.dev20260603
libtpu: 0.0.44.dev20260713+nightly
codegen_flags: <defaults>
</compile_context>

<pallas_src>
import functools

import jax
import jax.numpy as jnp
from jax import lax
from jax.experimental import pallas as pl
from jax.experimental.pallas import tpu as pltpu
from jax.experimental.pallas import tpu_sc as plsc

B, T, V, E, H = 128, 32, 10000, 512, 512
G4 = 4 * H

NC, NS = 2, 16
NW = NC * NS
ROWS = B * T
RPW = ROWS // NW


def _gather_body(emb_hbm, idx_hbm, out_hbm, idx_v, rows_v, sem):
    wid = lax.axis_index("s") * NC + lax.axis_index("c")
    base = wid * RPW
    pltpu.sync_copy(idx_hbm.at[pl.ds(base, RPW)], idx_v)
    pltpu.async_copy(emb_hbm.at[idx_v], rows_v, sem).wait()
    pltpu.sync_copy(rows_v, out_hbm.at[pl.ds(base, RPW)])


def _sc_gather(emb, idx):
    mesh = plsc.VectorSubcoreMesh(
        core_axis_name="c", subcore_axis_name="s",
        num_cores=NC, num_subcores=NS)
    return pl.kernel(
        _gather_body,
        out_type=jax.ShapeDtypeStruct((ROWS, E), jnp.float32),
        mesh=mesh,
        scratch_types=[
            pltpu.VMEM((RPW,), jnp.int32),
            pltpu.VMEM((RPW, E), jnp.float32),
            pltpu.SemaphoreType.DMA,
        ],
    )(emb, idx)


BV = 2048
NVBLK = 5


def _fused_body(x_ref, wi_ref, wh_ref, b_ref, bout_ref, wout_hbm,
                out_ref, hb_scr, c_scr, wout_vmem, dma_sem):
    t = pl.program_id(0)

    @pl.when(t == 0)
    def _():
        hb_scr[...] = jnp.zeros((B, H), jnp.bfloat16)
        c_scr[...] = jnp.zeros_like(c_scr)
        pltpu.make_async_copy(wout_hbm, wout_vmem, dma_sem).start()

    x = x_ref[0].astype(jnp.bfloat16)
    g = (jnp.dot(x, wi_ref[...], preferred_element_type=jnp.float32)
         + jnp.dot(hb_scr[...], wh_ref[...],
                   preferred_element_type=jnp.float32)
         + b_ref[...])
    gi = jax.nn.sigmoid(g[:, 0:H])
    gf = jax.nn.sigmoid(g[:, H:2 * H])
    gg = jnp.tanh(g[:, 2 * H:3 * H])
    go = jax.nn.sigmoid(g[:, 3 * H:4 * H])
    c = gf * c_scr[...] + gi * gg
    h = go * jnp.tanh(c)
    c_scr[...] = c
    hb_scr[...] = h.astype(jnp.bfloat16)

    @pl.when(t == T - 1)
    def _():
        pltpu.make_async_copy(wout_hbm, wout_vmem, dma_sem).wait()
        hb = h.astype(jnp.bfloat16)
        for j in range(NVBLK):
            lo = j * BV
            w = min(BV, V - lo)
            wblk = wout_vmem[lo:lo + w, :].astype(jnp.bfloat16)
            acc = jax.lax.dot_general(
                wblk, hb, (((1,), (1,)), ((), ())),
                preferred_element_type=jnp.float32)
            col = bout_ref[0, lo:lo + w].reshape(w, 1)
            out_ref[lo:lo + w, :] = acc + col


def _fused(x, Wi_bf, Wh_bf, b, W_out_t, b_out):
    return pl.pallas_call(
        _fused_body,
        grid=(T,),
        in_specs=[
            pl.BlockSpec((1, B, E), lambda t: (t, 0, 0)),
            pl.BlockSpec((E, G4), lambda t: (0, 0)),
            pl.BlockSpec((H, G4), lambda t: (0, 0)),
            pl.BlockSpec((1, G4), lambda t: (0, 0)),
            pl.BlockSpec((1, V), lambda t: (0, 0)),
            pl.BlockSpec(memory_space=pltpu.HBM),
        ],
        out_specs=pl.BlockSpec((V, B), lambda t: (0, 0)),
        out_shape=jax.ShapeDtypeStruct((V, B), jnp.float32),
        scratch_shapes=[
            pltpu.VMEM((B, H), jnp.bfloat16),
            pltpu.VMEM((B, H), jnp.float32),
            pltpu.VMEM((V, H), jnp.float32),
            pltpu.SemaphoreType.DMA,
        ],
    )(x, Wi_bf, Wh_bf, b, b_out, W_out_t)


def kernel(surf, emb, Wi, Wh, b, W_root, b_root, cb_root, W_ord, b_ord,
           cb_ord, W_out, b_out):
    idx = jnp.transpose(surf).reshape(ROWS).astype(jnp.int32)
    x = _sc_gather(emb, idx).reshape(T, B, E)
    logits_t = _fused(x, Wi.astype(jnp.bfloat16), Wh.astype(jnp.bfloat16),
                      b.reshape(1, G4), jnp.transpose(W_out),
                      b_out.reshape(1, V))
    return jnp.transpose(logits_t).reshape(B, 1, V)

# --- scband reference (transcript-rebuilt; emitter-appended) ---
"""Pipeline reference for scband-vqvae-probe-29137058136402 (READ-ONLY COPY).

The authoritative reference and input builder live on the scoring server;
editing this copy changes nothing except your own understanding.
"""

import jax, jax.numpy as jnp
import numpy as np

B, T, V, E, H = 128, 32, 10000, 512, 512
K, D_ROOT, N_ORD, D_ORD = 1024, 256, 4, 32


def setup_inputs(seed: int = 0):
    key = jax.random.key(seed)
    ks = jax.random.split(key, 16)
    surf = jax.random.randint(ks[0], (B, T), 0, V)
    emb = jax.random.normal(ks[1], (V, E), jnp.float32) * 0.02
    Wi = jax.random.normal(ks[2], (E, 4 * H), jnp.float32) * 0.02
    Wh = jax.random.normal(ks[3], (H, 4 * H), jnp.float32) * 0.02
    b = jnp.zeros((4 * H,), jnp.float32)
    W_root = jax.random.normal(ks[4], (H, D_ROOT), jnp.float32) * 0.02
    b_root = jnp.zeros((D_ROOT,), jnp.float32)
    cb_root = jax.random.normal(ks[5], (K, D_ROOT), jnp.float32) * 0.02
    W_ord = jax.random.normal(ks[6], (N_ORD, H, D_ORD), jnp.float32) * 0.02
    b_ord = jnp.zeros((N_ORD, D_ORD), jnp.float32)
    cb_ord = jax.random.normal(ks[7], (N_ORD, K, D_ORD), jnp.float32) * 0.02
    W_out = jax.random.normal(ks[8], (H, V), jnp.float32) * 0.02
    b_out = jnp.zeros((V,), jnp.float32)
    return {"surf": surf, "emb": emb, "Wi": Wi, "Wh": Wh, "b": b,
            "W_root": W_root, "b_root": b_root, "cb_root": cb_root,
            "W_ord": W_ord, "b_ord": b_ord, "cb_ord": cb_ord,
            "W_out": W_out, "b_out": b_out}


def _encoder(surf, emb, Wi, Wh, b):
    x = jnp.take(emb, surf, axis=0)
    h0 = jnp.zeros((x.shape[0], H), jnp.float32)
    c0 = jnp.zeros((x.shape[0], H), jnp.float32)

    def step(carry, xt):
        h, c = carry
        g = xt @ Wi + h @ Wh + b
        i, f, gg, o = jnp.split(g, 4, axis=-1)
        i = jax.nn.sigmoid(i)
        f = jax.nn.sigmoid(f)
        gg = jnp.tanh(gg)
        o = jax.nn.sigmoid(o)
        c = f * c + i * gg
        h = o * jnp.tanh(c)
        return (h, c), None

    (h, c), _ = jax.lax.scan(step, (h0, c0), jnp.swapaxes(x, 0, 1))
    return h[:, None, :], c[:, None, :], None


def _vq(z, cb):
    d = z.shape[-1]
    zf = z.reshape(-1, d)
    dist = jnp.sum(zf ** 2, axis=1, keepdims=True) - 2.0 * (zf @ cb.T) + jnp.sum(cb ** 2, axis=1)[None, :]
    inds = jnp.argmin(dist, axis=1)
    q = jnp.take(cb, inds, axis=0).reshape(z.shape)
    vq_loss = jnp.mean((jax.lax.stop_gradient(q) - z) ** 2) + 0.25 * jnp.mean((q - jax.lax.stop_gradient(z)) ** 2)
    q_st = z + jax.lax.stop_gradient(q - z)
    return q_st, vq_loss, inds.reshape(z.shape[:-1])


def reference(surf, emb, Wi, Wh, b, W_root, b_root, cb_root, W_ord, b_ord, cb_ord, W_out, b_out):
    fhs, fcs, z = _encoder(surf, emb, Wi, Wh, b)
    _fhs = fhs @ W_root + b_root
    rootdict, vq_loss, quantized_inds = _vq(_fhs, cb_root)
    orddicts = []
    for i in range(N_ORD):
        _f = fhs @ W_ord[i] + b_ord[i]
        q, _, _ = _vq(_f, cb_ord[i])
        orddicts.append(q)
    output_logits = fhs @ W_out + b_out
    return output_logits

if __name__ == "__main__":
    import jax
    _d = setup_inputs()
    print(jax.jit(kernel)(*tuple(_d.values())))

</pallas_src>

<mosaic_0001>
#map = affine_map<(d0, d1) -> (0, 0)>
#map1 = affine_map<(d0, d1) -> (0)>
module attributes {stable_mosaic.version = 14 : i64} {
  func.func @_gather_body(%arg0: i32, %arg1: i32, %arg2: memref<10000x512xf32, #tpu.memory_space<hbm>>, %arg3: memref<4096xi32, #tpu.memory_space<hbm>>, %arg4: memref<4096x512xf32, #tpu.memory_space<hbm>>, %arg5: memref<128xi32, #tpu.memory_space<vmem>>, %arg6: memref<128x512xf32, #tpu.memory_space<vmem>>, %arg7: memref<!tpu.dma_semaphore, #tpu.memory_space<semaphore_mem>>) attributes {dimension_semantics = [#tpu.dimension_semantics<core_parallel>, #tpu.dimension_semantics<subcore_parallel>], iteration_bounds = array<i64: 2, 16>, scalar_prefetch = 0 : i64, scratch_operands = 3 : i64, tpu.core_type = #tpu.core_type<sc_vector_subcore>, window_params = [{transform_indices = #map}, {transform_indices = #map1}, {transform_indices = #map}]} {
    %mul3A = arith.constant 2 : i32
    %mul3A_0 = arith.muli %arg1, %mul3A : i32
    %add3A = arith.addi %mul3A_0, %arg0 : i32
    %mul3A_1 = arith.constant 128 : i32
    %mul3A_2 = arith.muli %add3A, %mul3A_1 : i32
    "tpu.region"() ({
      %run_scoped3A = tpu.sem_alloc : memref<!tpu.dma_semaphore, #tpu.memory_space<semaphore_mem>>
      %dma_start3A_7 = tpu.memref_slice %arg3[%mul3A_2] : memref<4096xi32, #tpu.memory_space<hbm>> -> memref<128xi32, #tpu.memory_space<hbm>>
      %dma_start3A_8 = tpu.memref_slice %arg3[%mul3A_2] : memref<4096xi32, #tpu.memory_space<hbm>> -> memref<128xi32, #tpu.memory_space<hbm>>
      tpu.enqueue_dma source(%dma_start3A_8 : memref<128xi32, #tpu.memory_space<hbm>>) target(%arg5 : memref<128xi32, #tpu.memory_space<vmem>>) target_semaphore(%run_scoped3A : memref<!tpu.dma_semaphore, #tpu.memory_space<semaphore_mem>>)
      %dma_wait3A_9 = tpu.memref_slice %arg3[%mul3A_2] : memref<4096xi32, #tpu.memory_space<hbm>> -> memref<128xi32, #tpu.memory_space<hbm>>
      %dma_wait3A_10 = tpu.memref_slice %arg3[%mul3A_2] : memref<4096xi32, #tpu.memory_space<hbm>> -> memref<128xi32, #tpu.memory_space<hbm>>
      tpu.wait_dma2 semaphore(%run_scoped3A : memref<!tpu.dma_semaphore, #tpu.memory_space<semaphore_mem>>) src(%dma_wait3A_10 : memref<128xi32, #tpu.memory_space<hbm>>) dst(%arg5 : memref<128xi32, #tpu.memory_space<vmem>>)
      tpu.yield
    }) : () -> ()
    %dma_start3A = arith.constant 0 : i32
    %dma_start3A_3 = arith.constant 0 : i32
    %dma_start3A_4 = tpu.memref_slice %arg2[%dma_start3A, %dma_start3A_3] : memref<10000x512xf32, #tpu.memory_space<hbm>> -> memref<10000x512xf32, #tpu.memory_space<hbm>>
    tpu.enqueue_indirect_dma source(%dma_start3A_4 : memref<10000x512xf32, #tpu.memory_space<hbm>>) target(%arg6 : memref<128x512xf32, #tpu.memory_space<vmem>>) offsets(%arg5 : memref<128xi32, #tpu.memory_space<vmem>>) semaphore(%arg7 : memref<!tpu.dma_semaphore, #tpu.memory_space<semaphore_mem>>)
    %dma_wait3A = arith.constant 0 : i32
    %dma_wait3A_5 = arith.constant 0 : i32
    %dma_wait3A_6 = tpu.memref_slice %arg2[%dma_wait3A, %dma_wait3A_5] : memref<10000x512xf32, #tpu.memory_space<hbm>> -> memref<10000x512xf32, #tpu.memory_space<hbm>>
    tpu.wait_indirect_dma semaphore(%arg7 : memref<!tpu.dma_semaphore, #tpu.memory_space<semaphore_mem>>) src(%dma_wait3A_6 : memref<10000x512xf32, #tpu.memory_space<hbm>>) dst(%arg6 : memref<128x512xf32, #tpu.memory_space<vmem>>)
    "tpu.region"() ({
      %run_scoped3A = tpu.sem_alloc : memref<!tpu.dma_semaphore, #tpu.memory_space<semaphore_mem>>
      %dma_start3A_7 = arith.constant 0 : i32
      %dma_start3A_8 = tpu.memref_slice %arg4[%mul3A_2, %dma_start3A_7] : memref<4096x512xf32, #tpu.memory_space<hbm>> -> memref<128x512xf32, #tpu.memory_space<hbm>>
      %dma_start3A_9 = arith.constant 0 : i32
      %dma_start3A_10 = tpu.memref_slice %arg4[%mul3A_2, %dma_start3A_9] : memref<4096x512xf32, #tpu.memory_space<hbm>> -> memref<128x512xf32, #tpu.memory_space<hbm>>
      tpu.enqueue_dma source(%arg6 : memref<128x512xf32, #tpu.memory_space<vmem>>) target(%dma_start3A_10 : memref<128x512xf32, #tpu.memory_space<hbm>>) target_semaphore(%run_scoped3A : memref<!tpu.dma_semaphore, #tpu.memory_space<semaphore_mem>>)
      %dma_wait3A_11 = arith.constant 0 : i32
      %dma_wait3A_12 = tpu.memref_slice %arg4[%mul3A_2, %dma_wait3A_11] : memref<4096x512xf32, #tpu.memory_space<hbm>> -> memref<128x512xf32, #tpu.memory_space<hbm>>
      %dma_wait3A_13 = arith.constant 0 : i32
      %dma_wait3A_14 = tpu.memref_slice %arg4[%mul3A_2, %dma_wait3A_13] : memref<4096x512xf32, #tpu.memory_space<hbm>> -> memref<128x512xf32, #tpu.memory_space<hbm>>
      tpu.wait_dma2 semaphore(%run_scoped3A : memref<!tpu.dma_semaphore, #tpu.memory_space<semaphore_mem>>) src(%arg6 : memref<128x512xf32, #tpu.memory_space<vmem>>) dst(%dma_wait3A_14 : memref<128x512xf32, #tpu.memory_space<hbm>>)
      tpu.yield
    }) : () -> ()
    return
  }
}

module attributes {stable_mosaic.version = 14 : i64} {
  func.func @_fused_body(%arg0: i32, %arg1: memref<1x128x512xf32, #tpu.memory_space<vmem>>, %arg2: memref<512x2048xbf16, #tpu.memory_space<vmem>>, %arg3: memref<512x2048xbf16, #tpu.memory_space<vmem>>, %arg4: memref<1x2048xf32, #tpu.memory_space<vmem>>, %arg5: memref<1x10000xf32, #tpu.memory_space<vmem>>, %arg6: memref<10000x512xf32, #tpu.memory_space<hbm>>, %arg7: memref<10000x128xf32, #tpu.memory_space<vmem>>, %arg8: memref<128x512xbf16, #tpu.memory_space<vmem>>, %arg9: memref<128x512xf32, #tpu.memory_space<vmem>>, %arg10: memref<10000x512xf32, #tpu.memory_space<vmem>>, %arg11: memref<!tpu.dma_semaphore, #tpu.memory_space<semaphore_mem>>) attributes {dimension_semantics = [#tpu.dimension_semantics<arbitrary>], iteration_bounds = array<i64: 32>, scalar_prefetch = 0 : i64, scratch_operands = 4 : i64, tpu.core_type = #tpu.core_type<tc>, window_params = [{transform_indices = @transform_0, window_bounds = array<i64: 1, 128, 512>}, {pipeline_mode = #tpu.pipeline_mode<synchronous>, transform_indices = @transform_1, window_bounds = array<i64: 512, 2048>}, {pipeline_mode = #tpu.pipeline_mode<synchronous>, transform_indices = @transform_2, window_bounds = array<i64: 512, 2048>}, {pipeline_mode = #tpu.pipeline_mode<synchronous>, transform_indices = @transform_3, window_bounds = array<i64: 1, 2048>}, {pipeline_mode = #tpu.pipeline_mode<synchronous>, transform_indices = @transform_4, window_bounds = array<i64: 1, 10000>}, {}, {pipeline_mode = #tpu.pipeline_mode<synchronous>, transform_indices = @transform_6, window_bounds = array<i64: 10000, 128>}]} {
    %eq3A = arith.constant 0 : i32
    %eq3A_0 = arith.cmpi eq, %arg0, %eq3A : i32
    %convert_element_type3A = arith.extui %eq3A_0 : i1 to i32
    %cond3A = arith.constant 0 : i32
    %cond3A_1 = arith.cmpi ne, %convert_element_type3A, %cond3A : i32
    scf.if %cond3A_1 {
      %broadcast_in_dim3A = arith.constant 0.000000e+00 : bf16
      %broadcast_in_dim3A_62 = vector.broadcast %broadcast_in_dim3A : bf16 to vector<128x512xbf16>
      %swap3A_63 = arith.constant 0 : index
      %swap3A_64 = arith.constant 0 : index
      %swap3A_65 = vector.load %arg8[%swap3A_63, %swap3A_64] : memref<128x512xbf16, #tpu.memory_space<vmem>>, vector<128x512xbf16>
      tpu.vector_store %arg8[%swap3A_63, %swap3A_64], %broadcast_in_dim3A_62 {strides = array<i32>} : memref<128x512xbf16, #tpu.memory_space<vmem>>, vector<128x512xbf16>,
      %broadcast_in_dim3A_66 = arith.constant 0.000000e+00 : f32
      %broadcast_in_dim3A_67 = vector.broadcast %broadcast_in_dim3A_66 : f32 to vector<128x512xf32>
      %swap3A_68 = arith.constant 0 : index
      %swap3A_69 = arith.constant 0 : index
      %swap3A_70 = vector.load %arg9[%swap3A_68, %swap3A_69] : memref<128x512xf32, #tpu.memory_space<vmem>>, vector<128x512xf32>
      tpu.vector_store %arg9[%swap3A_68, %swap3A_69], %broadcast_in_dim3A_67 {strides = array<i32>} : memref<128x512xf32, #tpu.memory_space<vmem>>, vector<128x512xf32>,
      tpu.enqueue_dma source(%arg6 : memref<10000x512xf32, #tpu.memory_space<hbm>>) target(%arg10 : memref<10000x512xf32, #tpu.memory_space<vmem>>) target_semaphore(%arg11 : memref<!tpu.dma_semaphore, #tpu.memory_space<semaphore_mem>>)
    } else {
    }
    %get3A = arith.constant 0 : index
    %get3A_2 = arith.constant 0 : index
    %get3A_3 = arith.constant 0 : index
    %get3A_4 = vector.load %arg1[%get3A, %get3A_2, %get3A_3] : memref<1x128x512xf32, #tpu.memory_space<vmem>>, vector<1x128x512xf32>
    %get3A_5 = vector.shape_cast %get3A_4 : vector<1x128x512xf32> to vector<128x512xf32>
    %convert_element_type3A_6 = arith.truncf %get3A_5 : vector<128x512xf32> to vector<128x512xbf16>
    %get3A_7 = arith.constant 0 : index
    %get3A_8 = arith.constant 0 : index
    %get3A_9 = vector.load %arg2[%get3A_7, %get3A_8] : memref<512x2048xbf16, #tpu.memory_space<vmem>>, vector<512x2048xbf16>
    %dot_general3A = arith.constant dense<0.000000e+00> : vector<128x2048xf32>
    %dot_general3A_10 = tpu.matmul %convert_element_type3A_6, %get3A_9, %dot_general3A {dimension_numbers = #tpu.dot_dimension_numbers<[1], [0], [0], [1], [0, 0, 1, 1], [], []>, transpose_lhs_hint = false} : vector<128x512xbf16>, vector<512x2048xbf16>, vector<128x2048xf32> -> vector<128x2048xf32>
    %get3A_11 = arith.constant 0 : index
    %get3A_12 = arith.constant 0 : index
    %get3A_13 = vector.load %arg8[%get3A_11, %get3A_12] : memref<128x512xbf16, #tpu.memory_space<vmem>>, vector<128x512xbf16>
    %get3A_14 = arith.constant 0 : index
    %get3A_15 = arith.constant 0 : index
    %get3A_16 = vector.load %arg3[%get3A_14, %get3A_15] : memref<512x2048xbf16, #tpu.memory_space<vmem>>, vector<512x2048xbf16>
    %dot_general3A_17 = arith.constant dense<0.000000e+00> : vector<128x2048xf32>
    %dot_general3A_18 = tpu.matmul %get3A_13, %get3A_16, %dot_general3A_17 {dimension_numbers = #tpu.dot_dimension_numbers<[1], [0], [0], [1], [0, 0, 1, 1], [], []>, transpose_lhs_hint = false} : vector<128x512xbf16>, vector<512x2048xbf16>, vector<128x2048xf32> -> vector<128x2048xf32>
    %add3A = arith.addf %dot_general3A_10, %dot_general3A_18 : vector<128x2048xf32>
    %get3A_19 = arith.constant 0 : index
    %get3A_20 = arith.constant 0 : index
    %get3A_21 = vector.load %arg4[%get3A_19, %get3A_20] : memref<1x2048xf32, #tpu.memory_space<vmem>>, vector<1x2048xf32>
    %add3A_22 = vector.broadcast %get3A_21 : vector<1x2048xf32> to vector<128x2048xf32>
    %add3A_23 = arith.addf %add3A, %add3A_22 : vector<128x2048xf32>
    %slice3A = vector.extract_strided_slice %add3A_23 {offsets = [0, 0], sizes = [128, 512], strides = [1, 1]} : vector<128x2048xf32> to vector<128x512xf32>
    %logistic3A = arith.negf %slice3A : vector<128x512xf32>
    %logistic3A_24 = math.exp %logistic3A : vector<128x512xf32>
    %logistic3A_25 = arith.constant 1.000000e+00 : f32
    %logistic3A_26 = vector.broadcast %logistic3A_25 : f32 to vector<128x512xf32>
    %logistic3A_27 = arith.addf %logistic3A_26, %logistic3A_24 : vector<128x512xf32>
    %logistic3A_28 = arith.divf %logistic3A_26, %logistic3A_27 : vector<128x512xf32>
    %slice3A_29 = vector.extract_strided_slice %add3A_23 {offsets = [0, 512], sizes = [128, 512], strides = [1, 1]} : vector<128x2048xf32> to vector<128x512xf32>
    %logistic3A_30 = arith.negf %slice3A_29 : vector<128x512xf32>
    %logistic3A_31 = math.exp %logistic3A_30 : vector<128x512xf32>
    %logistic3A_32 = arith.constant 1.000000e+00 : f32
    %logistic3A_33 = vector.broadcast %logistic3A_32 : f32 to vector<128x512xf32>
    %logistic3A_34 = arith.addf %logistic3A_33, %logistic3A_31 : vector<128x512xf32>
    %logistic3A_35 = arith.divf %logistic3A_33, %logistic3A_34 : vector<128x512xf32>
    %slice3A_36 = vector.extract_strided_slice %add3A_23 {offsets = [0, 1024], sizes = [128, 512], strides = [1, 1]} : vector<128x2048xf32> to vector<128x512xf32>
    %tanh3A = math.tanh %slice3A_36 : vector<128x512xf32>
    %slice3A_37 = vector.extract_strided_slice %add3A_23 {offsets = [0, 1536], sizes = [128, 512], strides = [1, 1]} : vector<128x2048xf32> to vector<128x512xf32>
    %logistic3A_38 = arith.negf %slice3A_37 : vector<128x512xf32>
    %logistic3A_39 = math.exp %logistic3A_38 : vector<128x512xf32>
    %logistic3A_40 = arith.constant 1.000000e+00 : f32
    %logistic3A_41 = vector.broadcast %logistic3A_40 : f32 to vector<128x512xf32>
    %logistic3A_42 = arith.addf %logistic3A_41, %logistic3A_39 : vector<128x512xf32>
    %logistic3A_43 = arith.divf %logistic3A_41, %logistic3A_42 : vector<128x512xf32>
    %get3A_44 = arith.constant 0 : index
    %get3A_45 = arith.constant 0 : index
    %get3A_46 = vector.load %arg9[%get3A_44, %get3A_45] : memref<128x512xf32, #tpu.memory_space<vmem>>, vector<128x512xf32>
    %mul3A = arith.mulf %logistic3A_35, %get3A_46 : vector<128x512xf32>
    %mul3A_47 = arith.mulf %logistic3A_28, %tanh3A : vector<128x512xf32>
    %add3A_48 = arith.addf %mul3A, %mul3A_47 : vector<128x512xf32>
    %tanh3A_49 = math.tanh %add3A_48 : vector<128x512xf32>
    %mul3A_50 = arith.mulf %logistic3A_43, %tanh3A_49 : vector<128x512xf32>
    %swap3A = arith.constant 0 : index
    %swap3A_51 = arith.constant 0 : index
    %swap3A_52 = vector.load %arg9[%swap3A, %swap3A_51] : memref<128x512xf32, #tpu.memory_space<vmem>>, vector<128x512xf32>
    tpu.vector_store %arg9[%swap3A, %swap3A_51], %add3A_48 {strides = array<i32>} : memref<128x512xf32, #tpu.memory_space<vmem>>, vector<128x512xf32>,
    %convert_element_type3A_53 = arith.truncf %mul3A_50 : vector<128x512xf32> to vector<128x512xbf16>
    %swap3A_54 = arith.constant 0 : index
    %swap3A_55 = arith.constant 0 : index
    %swap3A_56 = vector.load %arg8[%swap3A_54, %swap3A_55] : memref<128x512xbf16, #tpu.memory_space<vmem>>, vector<128x512xbf16>
    tpu.vector_store %arg8[%swap3A_54, %swap3A_55], %convert_element_type3A_53 {strides = array<i32>} : memref<128x512xbf16, #tpu.memory_space<vmem>>, vector<128x512xbf16>,
    %eq3A_57 = arith.constant 31 : i32
    %eq3A_58 = arith.cmpi eq, %arg0, %eq3A_57 : i32
    %convert_element_type3A_59 = arith.extui %eq3A_58 : i1 to i32
    %cond3A_60 = arith.constant 0 : i32
    %cond3A_61 = arith.cmpi ne, %convert_element_type3A_59, %cond3A_60 : i32
    scf.if %cond3A_61 {
      tpu.wait_dma2 semaphore(%arg11 : memref<!tpu.dma_semaphore, #tpu.memory_space<semaphore_mem>>) src(%arg6 : memref<10000x512xf32, #tpu.memory_space<hbm>>) dst(%arg10 : memref<10000x512xf32, #tpu.memory_space<vmem>>)
      %convert_element_type3A_62 = arith.truncf %mul3A_50 : vector<128x512xf32> to vector<128x512xbf16>
      %get3A_63 = arith.constant 0 : index
      %get3A_64 = arith.constant 0 : index
      %get3A_65 = vector.load %arg10[%get3A_63, %get3A_64] : memref<10000x512xf32, #tpu.memory_space<vmem>>, vector<2048x512xf32>
      %convert_element_type3A_66 = arith.truncf %get3A_65 : vector<2048x512xf32> to vector<2048x512xbf16>
      %dot_general3A_67 = arith.constant dense<0.000000e+00> : vector<2048x128xf32>
      %dot_general3A_68 = tpu.matmul %convert_element_type3A_66, %convert_element_type3A_62, %dot_general3A_67 {dimension_numbers = #tpu.dot_dimension_numbers<[1], [1], [0], [0], [0, 0, 1, 0], [], []>, transpose_lhs_hint = false} : vector<2048x512xbf16>, vector<128x512xbf16>, vector<2048x128xf32> -> vector<2048x128xf32>
      %get3A_69 = arith.constant 0 : index
      %get3A_70 = arith.constant 0 : index
      %get3A_71 = vector.load %arg5[%get3A_69, %get3A_70] : memref<1x10000xf32, #tpu.memory_space<vmem>>, vector<1x2048xf32>
      %get3A_72 = vector.shape_cast %get3A_71 : vector<1x2048xf32> to vector<2048xf32>
      %reshape3A = vector.shape_cast %get3A_72 : vector<2048xf32> to vector<2048x1xf32>
      %add3A_73 = vector.broadcast %reshape3A : vector<2048x1xf32> to vector<2048x128xf32>
      %add3A_74 = arith.addf %dot_general3A_68, %add3A_73 : vector<2048x128xf32>
      %swap3A_75 = arith.constant 0 : index
      %swap3A_76 = arith.constant 0 : index
      %swap3A_77 = vector.load %arg7[%swap3A_75, %swap3A_76] : memref<10000x128xf32, #tpu.memory_space<vmem>>, vector<2048x128xf32>
      tpu.vector_store %arg7[%swap3A_75, %swap3A_76], %add3A_74 {strides = array<i32>} : memref<10000x128xf32, #tpu.memory_space<vmem>>, vector<2048x128xf32>,
      %get3A_78 = arith.constant 2048 : index
      %get3A_79 = arith.constant 0 : index
      %get3A_80 = vector.load %arg10[%get3A_78, %get3A_79] : memref<10000x512xf32, #tpu.memory_space<vmem>>, vector<2048x512xf32>
      %convert_element_type3A_81 = arith.truncf %get3A_80 : vector<2048x512xf32> to vector<2048x512xbf16>
      %dot_general3A_82 = arith.constant dense<0.000000e+00> : vector<2048x128xf32>
      %dot_general3A_83 = tpu.matmul %convert_element_type3A_81, %convert_element_type3A_62, %dot_general3A_82 {dimension_numbers = #tpu.dot_dimension_numbers<[1], [1], [0], [0], [0, 0, 1, 0], [], []>, transpose_lhs_hint = false} : vector<2048x512xbf16>, vector<128x512xbf16>, vector<2048x128xf32> -> vector<2048x128xf32>
      %get3A_84 = arith.constant 0 : index
      %get3A_85 = arith.constant 2048 : index
      %get3A_86 = vector.load %arg5[%get3A_84, %get3A_85] : memref<1x10000xf32, #tpu.memory_space<vmem>>, vector<1x2048xf32>
      %get3A_87 = vector.shape_cast %get3A_86 : vector<1x2048xf32> to vector<2048xf32>
      %reshape3A_88 = vector.shape_cast %get3A_87 : vector<2048xf32> to vector<2048x1xf32>
      %add3A_89 = vector.broadcast %reshape3A_88 : vector<2048x1xf32> to vector<2048x128xf32>
      %add3A_90 = arith.addf %dot_general3A_83, %add3A_89 : vector<2048x128xf32>
      %swap3A_91 = arith.constant 2048 : index
      %swap3A_92 = arith.constant 0 : index
      %swap3A_93 = vector.load %arg7[%swap3A_91, %swap3A_92] : memref<10000x128xf32, #tpu.memory_space<vmem>>, vector<2048x128xf32>
      tpu.vector_store %arg7[%swap3A_91, %swap3A_92], %add3A_90 {strides = array<i32>} : memref<10000x128xf32, #tpu.memory_space<vmem>>, vector<2048x128xf32>,
      %get3A_94 = arith.constant 4096 : index
      %get3A_95 = arith.constant 0 : index
      %get3A_96 = vector.load %arg10[%get3A_94, %get3A_95] : memref<10000x512xf32, #tpu.memory_space<vmem>>, vector<2048x512xf32>
      %convert_element_type3A_97 = arith.truncf %get3A_96 : vector<2048x512xf32> to vector<2048x512xbf16>
      %dot_general3A_98 = arith.constant dense<0.000000e+00> : vector<2048x128xf32>
      %dot_general3A_99 = tpu.matmul %convert_element_type3A_97, %convert_element_type3A_62, %dot_general3A_98 {dimension_numbers = #tpu.dot_dimension_numbers<[1], [1], [0], [0], [0, 0, 1, 0], [], []>, transpose_lhs_hint = false} : vector<2048x512xbf16>, vector<128x512xbf16>, vector<2048x128xf32> -> vector<2048x128xf32>
      %get3A_100 = arith.constant 0 : index
      %get3A_101 = arith.constant 4096 : index
      %get3A_102 = vector.load %arg5[%get3A_100, %get3A_101] : memref<1x10000xf32, #tpu.memory_space<vmem>>, vector<1x2048xf32>
      %get3A_103 = vector.shape_cast %get3A_102 : vector<1x2048xf32> to vector<2048xf32>
      %reshape3A_104 = vector.shape_cast %get3A_103 : vector<2048xf32> to vector<2048x1xf32>
      %add3A_105 = vector.broadcast %reshape3A_104 : vector<2048x1xf32> to vector<2048x128xf32>
      %add3A_106 = arith.addf %dot_general3A_99, %add3A_105 : vector<2048x128xf32>
      %swap3A_107 = arith.constant 4096 : index
      %swap3A_108 = arith.constant 0 : index
      %swap3A_109 = vector.load %arg7[%swap3A_107, %swap3A_108] : memref<10000x128xf32, #tpu.memory_space<vmem>>, vector<2048x128xf32>
      tpu.vector_store %arg7[%swap3A_107, %swap3A_108], %add3A_106 {strides = array<i32>} : memref<10000x128xf32, #tpu.memory_space<vmem>>, vector<2048x128xf32>,
      %get3A_110 = arith.constant 6144 : index
      %get3A_111 = arith.constant 0 : index
      %get3A_112 = vector.load %arg10[%get3A_110, %get3A_111] : memref<10000x512xf32, #tpu.memory_space<vmem>>, vector<2048x512xf32>
      %convert_element_type3A_113 = arith.truncf %get3A_112 : vector<2048x512xf32> to vector<2048x512xbf16>
      %dot_general3A_114 = arith.constant dense<0.000000e+00> : vector<2048x128xf32>
      %dot_general3A_115 = tpu.matmul %convert_element_type3A_113, %convert_element_type3A_62, %dot_general3A_114 {dimension_numbers = #tpu.dot_dimension_numbers<[1], [1], [0], [0], [0, 0, 1, 0], [], []>, transpose_lhs_hint = false} : vector<2048x512xbf16>, vector<128x512xbf16>, vector<2048x128xf32> -> vector<2048x128xf32>
      %get3A_116 = arith.constant 0 : index
      %get3A_117 = arith.constant 6144 : index
      %get3A_118 = vector.load %arg5[%get3A_116, %get3A_117] : memref<1x10000xf32, #tpu.memory_space<vmem>>, vector<1x2048xf32>
      %get3A_119 = vector.shape_cast %get3A_118 : vector<1x2048xf32> to vector<2048xf32>
      %reshape3A_120 = vector.shape_cast %get3A_119 : vector<2048xf32> to vector<2048x1xf32>
      %add3A_121 = vector.broadcast %reshape3A_120 : vector<2048x1xf32> to vector<2048x128xf32>
      %add3A_122 = arith.addf %dot_general3A_115, %add3A_121 : vector<2048x128xf32>
      %swap3A_123 = arith.constant 6144 : index
      %swap3A_124 = arith.constant 0 : index
      %swap3A_125 = vector.load %arg7[%swap3A_123, %swap3A_124] : memref<10000x128xf32, #tpu.memory_space<vmem>>, vector<2048x128xf32>
      tpu.vector_store %arg7[%swap3A_123, %swap3A_124], %add3A_122 {strides = array<i32>} : memref<10000x128xf32, #tpu.memory_space<vmem>>, vector<2048x128xf32>,
      %get3A_126 = arith.constant 8192 : index
      %get3A_127 = arith.constant 0 : index
      %get3A_128 = vector.load %arg10[%get3A_126, %get3A_127] : memref<10000x512xf32, #tpu.memory_space<vmem>>, vector<1808x512xf32>
      %convert_element_type3A_129 = arith.truncf %get3A_128 : vector<1808x512xf32> to vector<1808x512xbf16>
      %dot_general3A_130 = arith.constant dense<0.000000e+00> : vector<1808x128xf32>
      %dot_general3A_131 = tpu.matmul %convert_element_type3A_129, %convert_element_type3A_62, %dot_general3A_130 {dimension_numbers = #tpu.dot_dimension_numbers<[1], [1], [0], [0], [0, 0, 1, 0], [], []>, transpose_lhs_hint = false} : vector<1808x512xbf16>, vector<128x512xbf16>, vector<1808x128xf32> -> vector<1808x128xf32>
      %get3A_132 = arith.constant 0 : index
      %get3A_133 = arith.constant 8192 : index
      %get3A_134 = vector.load %arg5[%get3A_132, %get3A_133] : memref<1x10000xf32, #tpu.memory_space<vmem>>, vector<1x1808xf32>
      %get3A_135 = vector.shape_cast %get3A_134 : vector<1x1808xf32> to vector<1808xf32>
      %reshape3A_136 = vector.shape_cast %get3A_135 : vector<1808xf32> to vector<1808x1xf32>
      %add3A_137 = vector.broadcast %reshape3A_136 : vector<1808x1xf32> to vector<1808x128xf32>
      %add3A_138 = arith.addf %dot_general3A_131, %add3A_137 : vector<1808x128xf32>
      %swap3A_139 = arith.constant 8192 : index
      %swap3A_140 = arith.constant 0 : index
      %swap3A_141 = vector.load %arg7[%swap3A_139, %swap3A_140] : memref<10000x128xf32, #tpu.memory_space<vmem>>, vector<1808x128xf32>
      tpu.vector_store %arg7[%swap3A_139, %swap3A_140], %add3A_138 {strides = array<i32>} : memref<10000x128xf32, #tpu.memory_space<vmem>>, vector<1808x128xf32>,
    } else {
    }
    return
  }
  func.func @transform_0(%arg0: i32) -> (i32, i32, i32) {
    %c0_i32 = arith.constant 0 : i32
    %c0_i32_0 = arith.constant 0 : i32
    %c0_i32_1 = arith.constant 0 : i32
    return %arg0, %c0_i32, %c0_i32_0 : i32, i32, i32
  }
  func.func @transform_1(%arg0: i32) -> (i32, i32) {
    %c0_i32 = arith.constant 0 : i32
    %c0_i32_0 = arith.constant 0 : i32
    %c0_i32_1 = arith.constant 0 : i32
    return %c0_i32, %c0_i32_0 : i32, i32
  }
  func.func @transform_2(%arg0: i32) -> (i32, i32) {
    %c0_i32 = arith.constant 0 : i32
    %c0_i32_0 = arith.constant 0 : i32
    %c0_i32_1 = arith.constant 0 : i32
    return %c0_i32, %c0_i32_0 : i32, i32
  }
  func.func @transform_3(%arg0: i32) -> (i32, i32) {
    %c0_i32 = arith.constant 0 : i32
    %c0_i32_0 = arith.constant 0 : i32
    %c0_i32_1 = arith.constant 0 : i32
    return %c0_i32, %c0_i32_0 : i32, i32
  }
  func.func @transform_4(%arg0: i32) -> (i32, i32) {
    %c0_i32 = arith.constant 0 : i32
    %c0_i32_0 = arith.constant 0 : i32
    %c0_i32_1 = arith.constant 0 : i32
    return %c0_i32, %c0_i32_0 : i32, i32
  }
  func.func @transform_6(%arg0: i32) -> (i32, i32) {
    %c0_i32 = arith.constant 0 : i32
    %c0_i32_0 = arith.constant 0 : i32
    %c0_i32_1 = arith.constant 0 : i32
    return %c0_i32, %c0_i32_0 : i32, i32
  }
}

</mosaic_0001>

<sc_bundles>
// kernel: kernel.4.cloned.1.call-start
scs
__scs_entry_jumppad:
0x0: {  	(pc) =	sbr.rel $0x88, $3  }
0x1: {  	(tag) =	ssettag $0x0;
	lr =	simm.s32 $0x1  }
0x2: {  	[smem:$0x3F9A] =	sst lr;
	_ =	strace $0xD0000000  }
0x3: {  	_ = 	snop  }
0x4: {  	_ = 	snop  }
0x5: {  	_ = 	snop  }
0x6: {  	_ = 	snop  }
0x7: {  	_ = 	snop  }
__scs_overlays_trampoline_lowered:
0x8: {  	[smem:$0x3FA9] =	sst s0  }
0x9: {  	[smem:$0x3FAA] =	sst s1  }
0xa: {  	[smem:$0x3FAB] =	sst s2  }
0xb: {  	[smem:$0x3FAC] =	sst s3  }
0xc: {  	[smem:$0x3FAD] =	sst s4  }
0xd: {  	[smem:$0x3FAE] =	sst s5  }
0xe: {  	[smem:$0x3FAF] =	sst s6  }
0xf: {  	[smem:$0x3FB0] =	sst s7  }
0x10: {  	[smem:$0x3FB1] =	sst s8  }
0x11: {  	[smem:$0x3FB2] =	sst s9;
	s0 =	simm.s32 @!p0 $0x0  }
0x12: {  	s1 =	sld [smem:$0x3F98];
	s0 =	simm.s32 @p0 $0x1  }
0x13: {  	[smem:$0x3FB3] =	sst s0;
	s0 =	simm.s32 @!p1 $0x0  }
0x14: {  	s2 =	sld [smem:$0x3F97];
	s0 =	simm.s32 @p1 $0x1  }
0x15: {  	[smem:$0x3FB4] =	sst s0;
	s0 =	simm.s32 @!p2 $0x0  }
0x16: {  	s3 =	sld [smem:$0x3FDB];
	s0 =	simm.s32 @p2 $0x1  }
0x17: {  	s4 =	simm.s32 $0x1BF5;
	[smem:$0x3FB6] =	sst s0  }
0x18: {  	s0 =	sld [smem:$0x3F99];
	_ =	swait.ge [sflag:s4], $0x0  }
0x19: {  	s7 =	sld [smem:$0x3F9A]  }
0x1a: {  	s8 =	sadd.s32 $0xFFFFE003, lr  }
0x1b: {  	s9 =	sadd.s32 $0xFFFFFEF7, lr;
	s5 =	simm.s32 $0xFFFFFFFF;
	p2 =	slt.u32 s8, $0xFFFFF086  }
0x1c: {  	p1 =	slt.u32 s9, $0xF7A;
	s5 =	simm.s32 @!p2 $0x0  }
0x1d: {  	s5 =	simm.s32 @p1 $0x1;
	p0 =	seq.s32 s7, s2  }
0x1e: {  	s7 =	smul.u32 @!p0 $0xF7A, s2;
	p2 =	seq.s32 @!p0 s5, $0x0  }
0x1f: {  	s9 =	smul.u32 $0xF7A, s1;
	s8 =	simm.s32 @!p0 $0x1BF5;
	p2 =	por !p2, p0  }
0x20: {  	[sflag:s8] =	ssyncset.s32 @!p0 $0xFFFFF086;
	s6 =	sadd.s32 @!p0 s3, s7;
	s7 =	simm.s32 @!p0 $0x108  }
0x21: {  	s3 =	sadd.s32 s3, s9;
	s6 =	sadd.s32 @!p0 $0x88, s6;
	s7 =	simm.s32 @p2 $0x1082  }
0x22: {  	[simem:s7], [sflag:s8] =	dma.local @!p0 [hbm:s6], $0xF7A  }
0x23: {  	s9 =	sor.u32 $0xD0000000, s2;
	s6 =	simm.s32 $0x108;
	_ =	swait.ge @!p0 [sflag:s8], $0x0  }
0x24: {  	s3 =	sadd.s32 $0x88, s3;
	s6 =	simm.s32 @!p1 $0x1082;
	[sflag:s4] =	ssyncset.s32 $0xFFFFF086  }
0x25: {  	[simem:s6], [sflag:s4] =	dma.local [hbm:s3], $0xF7A  }
0x26: {  	[smem:$0x3F9A] =	sst s1;
	(tag) =	ssettag s2;
	_ =	strace s9  }
0x27: {  	s1 =	sld [smem:$0x3FAA]  }
0x28: {  	s2 =	sld [smem:$0x3FAB]  }
0x29: {  	s4 =	sld [smem:$0x3FAD]  }
0x2a: {  	p0 =	seq.s32 s5, $0x0;
	s5 =	sld [smem:$0x3FAE]  }
0x2b: {  	s6 =	sld [smem:$0x3FAF]  }
0x2c: {  	s7 =	sld [smem:$0x3FB0]  }
0x2d: {  	s3 =	simm.s32 $0x108;
	s8 =	sld [smem:$0x3FB1]  }
0x2e: {  	s3 =	simm.s32 @!p0 $0x1082;
	s9 =	sld [smem:$0x3FB2]  }
0x2f: {  	lr =	sadd.s32 s0, s3;
	s0 =	sld [smem:$0x3FA9]  }
0x30: {  	s3 =	sld [smem:$0x3FAC]  }
0x31: {  	[smem:$0x3FB5] =	sst s10  }
0x32: {  	s10 =	sld [smem:$0x3FB3];
	_ =	sdelay $0x3  }
0x33: {  	p0 =	seq.s32 s10, $0x1;
	s10 =	sld [smem:$0x3FB5];
	_ =	sdelay $0x3  }
0x34: {  	[smem:$0x3FB5] =	sst s10  }
0x35: {  	s10 =	sld [smem:$0x3FB4];
	_ =	sdelay $0x3  }
0x36: {  	p1 =	seq.s32 s10, $0x1;
	s10 =	sld [smem:$0x3FB5];
	_ =	sdelay $0x3  }
0x37: {  	[smem:$0x3FB5] =	sst s10  }
0x38: {  	s10 =	sld [smem:$0x3FB6]  }
0x39: {  	_ = 	snop;
	(pc) =	sbr.ind lr, $3  }
0x3a: {  	_ = 	snop  }
0x3b: {  	_ = 	snop  }
0x3c: {  	p2 =	seq.s32 s10, $0x1;
	s10 =	sld [smem:$0x3FB5]  }
0x3d: {  	_ =	shalt  }
0x3e: {  	_ =	shalt  }
0x3f: {  	_ =	shalt  }
0x40: {  	_ =	shalt  }
0x41: {  	_ =	shalt  }
0x42: {  	_ =	shalt  }
0x43: {  	_ =	shalt  }
0x44: {  	_ =	shalt  }
0x45: {  	_ =	shalt  }
0x46: {  	_ =	shalt  }
0x47: {  	_ =	shalt  }
0x48: {  	_ =	shalt  }
0x49: {  	_ =	shalt  }
0x4a: {  	_ =	shalt  }
0x4b: {  	_ =	shalt  }
0x4c: {  	_ =	shalt  }
0x4d: {  	_ =	shalt  }
0x4e: {  	_ =	shalt  }
0x4f: {  	_ =	shalt  }
0x50: {  	_ =	shalt  }
0x51: {  	_ =	shalt  }
0x52: {  	_ =	shalt  }
0x53: {  	_ =	shalt  }
0x54: {  	_ =	shalt  }
0x55: {  	_ =	shalt  }
0x56: {  	_ =	shalt  }
0x57: {  	_ =	shalt  }
0x58: {  	_ =	shalt  }
0x59: {  	_ =	shalt  }
0x5a: {  	_ =	shalt  }
0x5b: {  	_ =	shalt  }
0x5c: {  	_ =	shalt  }
0x5d: {  	_ =	shalt  }
0x5e: {  	_ =	shalt  }
0x5f: {  	_ =	shalt  }
0x60: {  	_ =	shalt  }
0x61: {  	_ =	shalt  }
0x62: {  	_ =	shalt  }
0x63: {  	_ =	shalt  }
0x64: {  	_ =	shalt  }
0x65: {  	_ =	shalt  }
0x66: {  	_ =	shalt  }
0x67: {  	_ =	shalt  }
0x68: {  	_ =	shalt  }
0x69: {  	_ =	shalt  }
0x6a: {  	_ =	shalt  }
0x6b: {  	_ =	shalt  }
0x6c: {  	_ =	shalt  }
0x6d: {  	_ =	shalt  }
0x6e: {  	_ =	shalt  }
0x6f: {  	_ =	shalt  }
0x70: {  	_ =	shalt  }
0x71: {  	_ =	shalt  }
0x72: {  	_ =	shalt  }
0x73: {  	_ =	shalt  }
0x74: {  	_ =	shalt  }
0x75: {  	_ =	shalt  }
0x76: {  	_ =	shalt  }
0x77: {  	_ =	shalt  }
0x78: {  	_ =	shalt  }
0x79: {  	_ =	shalt  }
0x7a: {  	_ =	shalt  }
0x7b: {  	_ =	shalt  }
0x7c: {  	_ =	shalt  }
0x7d: {  	_ =	shalt  }
0x7e: {  	_ =	shalt  }
0x7f: {  	_ =	shalt  }
0x80: {  	_ =	shalt  }
0x81: {  	_ =	shalt  }
0x82: {  	_ =	shalt  }
0x83: {  	_ =	shalt  }
0x84: {  	_ =	shalt  }
0x85: {  	_ =	shalt  }
0x86: {  	_ =	shalt  }
0x87: {  	_ =	shalt  }
.Lfunc_end0:
.L_simem_size_0:
called_computation_lowered:
.L_overlay_start_0:
0x88: {  	s2 =	sld [smem:$0x3FD9]  }
0x89: {  	s3 =	sld [smem:$0x3FFE];
	_ =	sdelay $0x1  }
0x8a: {  	s1 =	srdreg.scid  }
0x8b: {  	s0 =	sand.u32 $0x1, s1  }
0x8c: {  	s17 =	sshll.u32 s0, $0xA;
	s2 =	sadd.s32 s3, s2  }
0x8d: {  	s2 =	sadd.s32 s2, s17  }
0x8e: {  	[smem:$0x3FC1] =	sst s2  }
0x8f: {  	_ = 	snop  }
0x90: {  	s2 =	sld [smem:$0x3FC9]  }
0x91: {  	s18 =	sld [smem:$0x3FC8];
	(tm) =	ssettm $0x1  }
0x92: {  	s4 =	sld [smem:$0x3FFB];
	_ =	sdelay $0x3  }
0x93: {  	_ =	strace s4  }
0x94: {  	s4 =	sld [smem:$0x3FFC];
	_ =	sdelay $0x3  }
0x95: {  	_ =	strace s4  }
0x96: {  	s4 =	sld [smem:$0x3FFD];
	_ =	sdelay $0x3  }
0x97: {  	_ =	strace s4  }
0x98: {  	_ =	strace $0x8FFFFFFF  }
0x99: {  	s19 =	sld [smem:$0x3FDB];
	_ =	sdelay $0x1  }
0x9a: {  	s5 =	simm.s32 $_scs_section_size  }
0x9b: {  	s6 =	simm.s32 $_size__tile_overlayer_lowered;
	s7 =	simm.s32 $_tile_overlayer_lowered  }
0x9c: {  	s22 =	simm.s32 $0x1BFF;
	s21 =	sshll.u32 s7, $0x1;
	s4 =	sadd.s32 s5, s19  }
0x9d: {  	s8 =	simm.s32 $0x0;
	s20 =	sshll.u32 s6, $0x1;
	s6 =	sadd.s32 s21, s4  }
0x9e: {  	[timem:s8], [sflag:s22] =	dma.local [hbm:s6], s20  }
0x9f: {  	_ =	swait.ge [sflag:s22], s20  }
0xa0: {  	s5 =	ssub.s32 $0x0, s20;
	[sflag:s22] =	ssyncset.done $0x0  }
0xa1: {  	[sflag:s22] =	ssyncadd.s32 s5;
	_ =	sdelay $0x1  }
0xa2: {  	s23 =	simm.s32 $0x1B8B  }
0xa3: {  	_ =	swait.ge [sflag:s23], $0x1  }
0xa4: {  	[sflag:s23] =	ssyncset.done $0x0  }
0xa5: {  	s25 =	simm.s32 $0x1B8E;
	s24 =	sld [smem:$0x3FFE];
	[sflag:s23] =	ssyncadd.s32 $0xFFFFFFFF  }
0xa6: {  	s26 =	simm.s32 $execute0_lowered;
	[smem:$0x3FD2] =	sst s25  }
0xa7: {  	s6 =	sshll.u32 s26, $0x1;
	_ =	strace $0x80000046;
	[dreg:$0x1] =	wrdreg $0xFFFFFFFF  }
0xa8: {  	s28 =	simm.s32 $_size_execute0_lowered;
	s4 =	sadd.s32 s4, s6;
	[dreg:$0x0] =	wrdreg $0x0  }
0xa9: {  	s6 =	sshll.u32 s28, $0x1;
	[dreg:$0x2] =	wrdreg s4  }
0xaa: {  	[dreg:$0x3] =	wrdreg s6  }
0xab: {  	[dreg:$0x4] =	wrdreg $0xC0  }
0xac: {  	_ =	task [dreg:s8], $0x5FFFF  }
0xad: {  	[dreg:$0x1] =	wrdreg $0xFFFFFFFF  }
0xae: {  	[dreg:$0x0] =	wrdreg $0x60  }
0xaf: {  	[dreg:$0x2] =	wrdreg s18  }
0xb0: {  	[dreg:$0x3] =	wrdreg s2  }
0xb1: {  	[dreg:$0x4] =	wrdreg s24  }
0xb2: {  	[dreg:$0x5] =	wrdreg $0x9  }
0xb3: {  	_ =	task.clear_ibuf [dreg:s8], $0x6FFFF;
	_ =	strace $0x90000046  }
0xb4: {  	s29 =	simm.s32 $0x9;
	_ =	strace $0x80000048  }
0xb5: {  	_ =	swait.ge [sflag:s29], $0x1  }
0xb6: {  	[sflag:s29] =	ssyncadd.s32 $0xFFFFFFFF  }
0xb7: {  	_ =	strace $0x90000048  }
0xb8: {  	_ =	sfence  }
0xb9: {  	s30 =	sld [smem:$0x0];
	_ =	sdelay $0x2  }
0xba: {  	s31 =	sshll.u32 s1, $0xD;
	s1 =	sshrl.u32 s1, $0x2  }
0xbb: {  	s3 =	sand.u32 $0x4000, s31;
	s1 =	sadd.s32 s1, s30  }
0xbc: {  	s0 =	sor.u32 s3, s0;
	s1 =	sshll.u32 s1, $0x11  }
0xbd: {  	s0 =	sor.u32 s1, s0  }
0xbe: {  	s0 =	sadd.s32 $0x8F2B, s0  }
0xbf: {  	[sflag:s0] =	ssyncadd.remote.s32 $0x1  }
0xc0: {  	_ =	sfence.sel $0xFFFF  }
0xc1: {  	[dreg:$0x0] =	wrdreg $0xFFFFFFFF;
	(pc) =	sbr.abs _section_cstart, $3  }
0xc2: {  	[dreg:$0x1] =	wrdreg $0xFFFFFFFF  }
0xc3: {  	_ =	task.clear_ibuf [dreg:s8], $0x2FFFF;
	_ =	strace $0x9FFFFFFF  }
0xc4: {  	(tm) =	ssettm $0x7FFFFFFF  }
0xc5: {  	_ =	shalt  }
tec
execute0_lowered:
.L_overlay_start_1:
0x0: {  	(tag) =	ssettag $0x1  }
0x1: {  	s1 =	rddreg [dreg:$0x0]  }
0x2: {  	s2 =	srdreg.scid;
	s4 =	rddreg [dreg:$0x1]  }
0x3: {  	s0 =	stileid.u32;
	s5 =	rddreg [dreg:$0x2]  }
0x4: {  	s3 =	simm.s32 $0x0;
	s18 =	simm.s32 $0x880;
	s19 =	simm.s32 $0x1080  }
0x5: {  	s20 =	simm.s32 $0x1880;
	s21 =	simm.s32 $0x2080;
	s23 =	simm.s32 $0x2880  }
0x6: {  	s24 =	simm.s32 $0x3080;
	s25 =	simm.s32 $0x3880;
	s26 =	simm.s32 $0x4080  }
0x7: {  	s9 =	simm.s32 $0x5080;
	s10 =	simm.s32 $0x5880;
	[smem:$0x7FF] =	sst s3  }
0x8: {  	s11 =	simm.s32 $0x6080;
	_ =	strace $0x80000047;
	[dreg:$0x6] =	wrdreg s18  }
0x9: {  	s12 =	simm.s32 $0x6880;
	s13 =	simm.s32 $0x7080;
	[dreg:$0x7] =	wrdreg s19  }
0xa: {  	s14 =	simm.s32 $0x7880;
	s15 =	simm.s32 $0x8080;
	[dreg:$0x8] =	wrdreg s20  }
0xb: {  	s16 =	simm.s32 $0x8880;
	s28 =	simm.s32 $0xE080;
	[dreg:$0x9] =	wrdreg s21  }
0xc: {  	s29 =	simm.s32 $0xE880;
	s30 =	simm.s32 $0xF080;
	[dreg:$0xa] =	wrdreg s23  }
0xd: {  	s31 =	simm.s32 $0xF880;
	s2 =	sand.u32 $0x1, s2;
	[dreg:$0xb] =	wrdreg s24  }
0xe: {  	s6 =	sshll.u32 s0, $0x8;
	s7 =	sshll.u32 s2, $0x7;
	[dreg:$0xc] =	wrdreg s25  }
0xf: {  	s2 =	ssub.s32 $0x2, s2;
	[dreg:$0xd] =	wrdreg s26;
	s18 =	simm.s32 $0x9880  }
0x10: {  	s19 =	simm.s32 $0xA080;
	s20 =	simm.s32 $0xA880;
	s21 =	simm.s32 $0xB080  }
0x11: {  	s23 =	simm.s32 $0xC080;
	s24 =	simm.s32 $0xC880;
	s25 =	simm.s32 $0xD080  }
0x12: {  	s26 =	simm.s32 $0xD880;
	s6 =	sor.u32 s7, s6;
	s22 =	sshrl.u32 s2, $0x1  }
0x13: {  	s7 =	sshll.u32 s6, $0x6;
	s6 =	sshrl.u32 s6, $0x3;
	s2 =	ssub.s32 s2, s22  }
0x14: {  	s22 =	simm.s32 $0xB880;
	s5 =	sadd.s32 s7, s5;
	s4 =	sadd.s32 s4, s6  }
0x15: {  	v2 =	vlaneseq.u32;
	s6 =	simm.s32 $0x2;
	s7 =	simm.s32 $0x80;
	[dreg:$0x4] =	wrdreg s4  }
0x16: {  	vm0 =	vmmov $0xffff;
	v1 =	vshrl.u32 v2, $0x3;
	s17 =	sadd.s32 $0xE00, s5;
	s4 =	sadd.s32 $0x100, s1;
	s5 =	smax.u32 s2, $0x1  }
0x17: {  	v0 =	vand.u32 $0x7, v2;
	v2 =	vor.u32 $0x8, v2;
	v1 =	vmul.u32 $0x8, v1;
	s2 =	simm.s32 $0x1;
	[dreg:$0x5] =	wrdreg s17;
	s17 =	simm.s32 $0x9080  }
.LBB2_1:
0x18: {  	s0 =	rddreg [dreg:$0x4]  }
0x19: {  	[tilespmem:s3], [sflag:$0x2] =	stream.linear.gather [hbm4b:s0+s3], $0x80, $0x38;
	[tilespmem:$0x10080] =	vst v63  }
0x1a: {  	_ =	swait.ge [sflag:s6], $0x80  }
0x1b: {  	[sflag:s6] =	ssyncset.done $0x0  }
0x1c: {  	[sflag:s6] =	ssyncadd.s32 $0xFFFFFF80  }
0x1d: {  	v3 =	vld [tilespmem:$0x0];
	_ =	sdelay $0x4  }
0x1e: {  	v4 =	vshll.u32 v3, $0x2  }
0x1f: {  	v3 =	vand.u32 $0x7, v3;
	v4 =	vand.u32 $0xFFFFFFE0, v4  }
0x20: {  	v3 =	vor.u32 v3, v4  }
0x21: {  	v4 =	vperm.xlane v3, v0;
	_ =	sdelay $0x1  }
0x22: {  	v4 =	vadd.s32 v1, v4;
	_ =	sdelay $0x1  }
0x23: {  	v3 =	vperm.xlane v3, v2;
	_ =	sdelay $0x1  }
0x24: {  	v3 =	vadd.s32 v1, v3  }
0x25: {  	[tilespmem:s7], [sflag:$0x1] =	stream.indirect_vreg.gather [hbm4b:s1+s3], $0x80, v4, vm0, $0xb8;
	[tilespmem:$0x10080] =	vst v63  }
0x26: {  	s0 =	rddreg [dreg:$0x6]  }
0x27: {  	[tilespmem:s0], [sflag:$0x1] =	stream.indirect_vreg.gather [hbm4b:s4+s3], $0x80, v4, vm0, $0xb8;
	[tilespmem:$0x10080] =	vst v63  }
0x28: {  	s8 =	rddreg [dreg:$0x7]  }
0x29: {  	[tilespmem:s8], [sflag:$0x1] =	stream.indirect_vreg.gather [hbm4b:s1+s3], $0x80, v3, vm0, $0xb8;
	[tilespmem:$0x10080] =	vst v63  }
0x2a: {  	s0 =	rddreg [dreg:$0x8]  }
0x2b: {  	[tilespmem:s0], [sflag:$0x1] =	stream.indirect_vreg.gather [hbm4b:s4+s3], $0x80, v3, vm0, $0xb8;
	[tilespmem:$0x10080] =	vst v63  }
0x2c: {  	v3 =	vld [tilespmem:$0x10];
	_ =	sdelay $0x4  }
0x2d: {  	v57 =	vshll.u32 v3, $0x2  }
0x2e: {  	v3 =	vand.u32 $0x7, v3;
	v4 =	vand.u32 $0xFFFFFFE0, v57  }
0x2f: {  	v3 =	vor.u32 v3, v4  }
0x30: {  	v4 =	vperm.xlane v3, v0;
	_ =	sdelay $0x1  }
0x31: {  	v4 =	vadd.s32 v1, v4;
	_ =	sdelay $0x1  }
0x32: {  	v3 =	vperm.xlane v3, v2;
	_ =	sdelay $0x1  }
0x33: {  	s0 =	rddreg [dreg:$0x9];
	v3 =	vadd.s32 v1, v3  }
0x34: {  	[tilespmem:s0], [sflag:$0x1] =	stream.indirect_vreg.gather [hbm4b:s1+s3], $0x80, v4, vm0, $0xb8;
	[tilespmem:$0x10080] =	vst v63  }
0x35: {  	s8 =	rddreg [dreg:$0xa]  }
0x36: {  	[tilespmem:s8], [sflag:$0x1] =	stream.indirect_vreg.gather [hbm4b:s4+s3], $0x80, v4, vm0, $0xb8;
	[tilespmem:$0x10080] =	vst v63  }
0x37: {  	s0 =	rddreg [dreg:$0xb]  }
0x38: {  	[tilespmem:s0], [sflag:$0x1] =	stream.indirect_vreg.gather [hbm4b:s1+s3], $0x80, v3, vm0, $0xb8;
	[tilespmem:$0x10080] =	vst v63  }
0x39: {  	s8 =	rddreg [dreg:$0xc]  }
0x3a: {  	[tilespmem:s8], [sflag:$0x1] =	stream.indirect_vreg.gather [hbm4b:s4+s3], $0x80, v3, vm0, $0xb8;
	[tilespmem:$0x10080] =	vst v63  }
0x3b: {  	v3 =	vld [tilespmem:$0x20];
	_ =	sdelay $0x4  }
0x3c: {  	v58 =	vshll.u32 v3, $0x2  }
0x3d: {  	v3 =	vand.u32 $0x7, v3;
	v4 =	vand.u32 $0xFFFFFFE0, v58  }
0x3e: {  	v3 =	vor.u32 v3, v4  }
0x3f: {  	v4 =	vperm.xlane v3, v0;
	_ =	sdelay $0x1  }
0x40: {  	v4 =	vadd.s32 v1, v4;
	_ =	sdelay $0x1  }
0x41: {  	v3 =	vperm.xlane v3, v2;
	_ =	sdelay $0x1  }
0x42: {  	s8 =	rddreg [dreg:$0xd];
	v3 =	vadd.s32 v1, v3  }
0x43: {  	[tilespmem:s8], [sflag:$0x1] =	stream.indirect_vreg.gather [hbm4b:s1+s3], $0x80, v4, vm0, $0xb8;
	[tilespmem:$0x10080] =	vst v63  }
0x44: {  	s8 =	simm.s32 $0x4880  }
0x45: {  	[tilespmem:s8], [sflag:$0x1] =	stream.indirect_vreg.gather [hbm4b:s4+s3], $0x80, v4, vm0, $0xb8;
	[tilespmem:$0x10080] =	vst v63  }
0x46: {  	_ = 	snop  }
0x47: {  	[tilespmem:s9], [sflag:$0x1] =	stream.indirect_vreg.gather [hbm4b:s1+s3], $0x80, v3, vm0, $0xb8;
	[tilespmem:$0x10080] =	vst v63  }
0x48: {  	_ = 	snop  }
0x49: {  	[tilespmem:s10], [sflag:$0x1] =	stream.indirect_vreg.gather [hbm4b:s4+s3], $0x80, v3, vm0, $0xb8;
	[tilespmem:$0x10080] =	vst v63  }
0x4a: {  	v3 =	vld [tilespmem:$0x30];
	_ =	sdelay $0x4  }
0x4b: {  	v59 =	vshll.u32 v3, $0x2  }
0x4c: {  	v3 =	vand.u32 $0x7, v3;
	v4 =	vand.u32 $0xFFFFFFE0, v59  }
0x4d: {  	v3 =	vor.u32 v3, v4  }
0x4e: {  	v4 =	vperm.xlane v3, v0;
	_ =	sdelay $0x1  }
0x4f: {  	v4 =	vadd.s32 v1, v4;
	_ =	sdelay $0x1  }
0x50: {  	v3 =	vperm.xlane v3, v2;
	_ =	sdelay $0x1  }
0x51: {  	v3 =	vadd.s32 v1, v3  }
0x52: {  	[tilespmem:s11], [sflag:$0x1] =	stream.indirect_vreg.gather [hbm4b:s1+s3], $0x80, v4, vm0, $0xb8;
	[tilespmem:$0x10080] =	vst v63  }
0x53: {  	_ = 	snop  }
0x54: {  	[tilespmem:s12], [sflag:$0x1] =	stream.indirect_vreg.gather [hbm4b:s4+s3], $0x80, v4, vm0, $0xb8;
	[tilespmem:$0x10080] =	vst v63  }
0x55: {  	_ = 	snop  }
0x56: {  	[tilespmem:s13], [sflag:$0x1] =	stream.indirect_vreg.gather [hbm4b:s1+s3], $0x80, v3, vm0, $0xb8;
	[tilespmem:$0x10080] =	vst v63  }
0x57: {  	_ = 	snop  }
0x58: {  	[tilespmem:s14], [sflag:$0x1] =	stream.indirect_vreg.gather [hbm4b:s4+s3], $0x80, v3, vm0, $0xb8;
	[tilespmem:$0x10080] =	vst v63  }
0x59: {  	v3 =	vld [tilespmem:$0x40];
	_ =	sdelay $0x4  }
0x5a: {  	v60 =	vshll.u32 v3, $0x2  }
0x5b: {  	v3 =	vand.u32 $0x7, v3;
	v4 =	vand.u32 $0xFFFFFFE0, v60  }
0x5c: {  	v3 =	vor.u32 v3, v4  }
0x5d: {  	v4 =	vperm.xlane v3, v0;
	_ =	sdelay $0x1  }
0x5e: {  	v4 =	vadd.s32 v1, v4;
	_ =	sdelay $0x1  }
0x5f: {  	v3 =	vperm.xlane v3, v2;
	_ =	sdelay $0x1  }
0x60: {  	v3 =	vadd.s32 v1, v3  }
0x61: {  	[tilespmem:s15], [sflag:$0x1] =	stream.indirect_vreg.gather [hbm4b:s1+s3], $0x80, v4, vm0, $0xb8;
	[tilespmem:$0x10080] =	vst v63  }
0x62: {  	_ = 	snop  }
0x63: {  	[tilespmem:s16], [sflag:$0x1] =	stream.indirect_vreg.gather [hbm4b:s4+s3], $0x80, v4, vm0, $0xb8;
	[tilespmem:$0x10080] =	vst v63  }
0x64: {  	_ = 	snop  }
0x65: {  	[tilespmem:s17], [sflag:$0x1] =	stream.indirect_vreg.gather [hbm4b:s1+s3], $0x80, v3, vm0, $0xb8;
	[tilespmem:$0x10080] =	vst v63  }
0x66: {  	_ = 	snop  }
0x67: {  	[tilespmem:s18], [sflag:$0x1] =	stream.indirect_vreg.gather [hbm4b:s4+s3], $0x80, v3, vm0, $0xb8;
	[tilespmem:$0x10080] =	vst v63  }
0x68: {  	v3 =	vld [tilespmem:$0x50];
	_ =	sdelay $0x4  }
0x69: {  	v61 =	vshll.u32 v3, $0x2  }
0x6a: {  	v3 =	vand.u32 $0x7, v3;
	v4 =	vand.u32 $0xFFFFFFE0, v61  }
0x6b: {  	v3 =	vor.u32 v3, v4  }
0x6c: {  	v4 =	vperm.xlane v3, v0;
	_ =	sdelay $0x1  }
0x6d: {  	v4 =	vadd.s32 v1, v4;
	_ =	sdelay $0x1  }
0x6e: {  	v3 =	vperm.xlane v3, v2;
	_ =	sdelay $0x1  }
0x6f: {  	v3 =	vadd.s32 v1, v3  }
0x70: {  	[tilespmem:s19], [sflag:$0x1] =	stream.indirect_vreg.gather [hbm4b:s1+s3], $0x80, v4, vm0, $0xb8;
	[tilespmem:$0x10080] =	vst v63  }
0x71: {  	_ = 	snop  }
0x72: {  	[tilespmem:s20], [sflag:$0x1] =	stream.indirect_vreg.gather [hbm4b:s4+s3], $0x80, v4, vm0, $0xb8;
	[tilespmem:$0x10080] =	vst v63  }
0x73: {  	_ = 	snop  }
0x74: {  	[tilespmem:s21], [sflag:$0x1] =	stream.indirect_vreg.gather [hbm4b:s1+s3], $0x80, v3, vm0, $0xb8;
	[tilespmem:$0x10080] =	vst v63  }
0x75: {  	_ = 	snop  }
0x76: {  	[tilespmem:s22], [sflag:$0x1] =	stream.indirect_vreg.gather [hbm4b:s4+s3], $0x80, v3, vm0, $0xb8;
	[tilespmem:$0x10080] =	vst v63  }
0x77: {  	v3 =	vld [tilespmem:$0x60];
	_ =	sdelay $0x4  }
0x78: {  	v62 =	vshll.u32 v3, $0x2  }
0x79: {  	v3 =	vand.u32 $0x7, v3;
	v4 =	vand.u32 $0xFFFFFFE0, v62  }
0x7a: {  	v3 =	vor.u32 v3, v4  }
0x7b: {  	v4 =	vperm.xlane v3, v0;
	_ =	sdelay $0x1  }
0x7c: {  	v4 =	vadd.s32 v1, v4;
	_ =	sdelay $0x1  }
0x7d: {  	v3 =	vperm.xlane v3, v2;
	_ =	sdelay $0x1  }
0x7e: {  	v3 =	vadd.s32 v1, v3  }
0x7f: {  	[tilespmem:s23], [sflag:$0x1] =	stream.indirect_vreg.gather [hbm4b:s1+s3], $0x80, v4, vm0, $0xb8;
	[tilespmem:$0x10080] =	vst v63  }
0x80: {  	_ = 	snop  }
0x81: {  	[tilespmem:s24], [sflag:$0x1] =	stream.indirect_vreg.gather [hbm4b:s4+s3], $0x80, v4, vm0, $0xb8;
	[tilespmem:$0x10080] =	vst v63  }
0x82: {  	_ = 	snop  }
0x83: {  	[tilespmem:s25], [sflag:$0x1] =	stream.indirect_vreg.gather [hbm4b:s1+s3], $0x80, v3, vm0, $0xb8;
	[tilespmem:$0x10080] =	vst v63  }
0x84: {  	_ = 	snop  }
0x85: {  	[tilespmem:s26], [sflag:$0x1] =	stream.indirect_vreg.gather [hbm4b:s4+s3], $0x80, v3, vm0, $0xb8;
	[tilespmem:$0x10080] =	vst v63  }
0x86: {  	v3 =	vld [tilespmem:$0x70];
	_ =	sdelay $0x4  }
0x87: {  	v63 =	vshll.u32 v3, $0x2  }
0x88: {  	v3 =	vand.u32 $0x7, v3;
	v4 =	vand.u32 $0xFFFFFFE0, v63  }
0x89: {  	v3 =	vor.u32 v3, v4  }
0x8a: {  	v4 =	vperm.xlane v3, v0;
	_ =	sdelay $0x1  }
0x8b: {  	v4 =	vadd.s32 v1, v4;
	_ =	sdelay $0x1  }
0x8c: {  	v3 =	vperm.xlane v3, v2;
	_ =	sdelay $0x1  }
0x8d: {  	v3 =	vadd.s32 v1, v3  }
0x8e: {  	[tilespmem:s28], [sflag:$0x1] =	stream.indirect_vreg.gather [hbm4b:s1+s3], $0x80, v4, vm0, $0xb8;
	[tilespmem:$0x10080] =	vst v63  }
0x8f: {  	_ = 	snop  }
0x90: {  	[tilespmem:s29], [sflag:$0x1] =	stream.indirect_vreg.gather [hbm4b:s4+s3], $0x80, v4, vm0, $0xb8;
	[tilespmem:$0x10080] =	vst v63  }
0x91: {  	_ = 	snop  }
0x92: {  	[tilespmem:s30], [sflag:$0x1] =	stream.indirect_vreg.gather [hbm4b:s1+s3], $0x80, v3, vm0, $0xb8;
	[tilespmem:$0x10080] =	vst v63  }
0x93: {  	_ = 	snop  }
0x94: {  	[tilespmem:s31], [sflag:$0x1] =	stream.indirect_vreg.gather [hbm4b:s4+s3], $0x80, v3, vm0, $0xb8;
	[tilespmem:$0x10080] =	vst v63  }
0x95: {  	_ =	swait.ge [sflag:s2], $0x10000  }
0x96: {  	p0 =	sne.s32 s5, $0x1;
	[sflag:s2] =	ssyncset.done $0x0  }
.Ltmp0:
0x97: {  	s8 =	rddreg [dreg:$0x5];
	[sflag:s2] =	ssyncadd.s32 $0xFFFF0000;
	(pc) =	sbr.rel @p0 .LBB2_1-.Ltmp0, $4  }
0x98: {  	[hbm4b:s8+s3] =	stream.linear.scatter [tilespmem:s7], [sflag:$0x2], $0x10000, $0x38;
	[tilespmem:$0x10080] =	vst v63  }
0x99: {  	_ =	swait.ge [sflag:s6], $0x10000  }
0x9a: {  	[sflag:s6] =	ssyncset.done $0x0  }
0x9b: {  	s5 =	sadd.s32 $0xFFFFFFFF, s5;
	[sflag:s6] =	ssyncadd.s32 $0xFFFF0000  }
0x9c: {  	_ =	sfence.sel $0x180000  }
0x9d: {  	[bflag:$0x0] =	sbarrier.arrive $0xFFFF  }
0x9e: {  	_ =	strace $0x90000047  }
0x9f: {  	s0 =	stileid.u32;
	[bflag:$0x2] =	sbarrier.arrive $0xFFFF  }
0xa0: {  	p0 =	sne.s32 s0, $0x0;
	s0 =	rddreg [dreg:$0x3]  }
0xa1: {  	s0 =	sadd.s32 @!p0 $0x100000, s0  }
0xa2: {  	[sflag:s0] =	ssyncadd.tile.s32 @!p0 $0x1;
	_ =	shalt  }
.Lfunc_end2:
_tile_overlayer_lowered:
.L_overlay_start_2:
0xa3: {  	(tag) =	ssettag $0x2  }
0xa4: {  	s0 =	rddreg [dreg:$0x0];
	s2 =	stileid.u32  }
0xa5: {  	s1 =	rddreg [dreg:$0x1];
	p0 =	sne.s32 s2, $0x0  }
0xa6: {  	s3 =	rddreg [dreg:$0x2];
	[bflag:$0x3] =	sbarrier.arrive $0xFFFF;
	s2 =	simm.s32 @!p0 $0x1C02  }
0xa7: {  	[timem:s3], [sflag:s2] =	dma.local @!p0 [hbm:s0], s1  }
0xa8: {  	s0 =	simm.s32 @!p0 $0x2  }
0xa9: {  	_ =	swait.ge @!p0 [sflag:s0], s1  }
0xaa: {  	s1 =	ssub.s32 @!p0 $0x0, s1;
	[sflag:s0] =	ssyncset.done @!p0 $0x0  }
0xab: {  	[sflag:s0] =	ssyncadd.s32 @!p0 s1  }
0xac: {  	[bflag:$0x3] =	sbarrier.arrive $0xFFFF  }
0xad: {  	_ =	shalt  }

</sc_bundles>
